<compile_context>
chip_gen: v7x
topology: tpu7x:2x2x1
jax: 0.10.2.dev20260603
libtpu: 0.0.44.dev20260713+nightly
codegen_flags: <defaults>
</compile_context>

<pallas_src>
import functools
import math

import jax
import jax.numpy as jnp
from jax import lax
from jax.experimental import pallas as pl
from jax.experimental.pallas import tpu as pltpu
from jax.experimental.pallas import tpu_sc as plsc

_DIM = 256
_T_MAX = 240


def _sin_table():
    t = jnp.arange(_T_MAX, dtype=jnp.float32)[:, None]
    denominator = jnp.exp(
        jnp.arange(_DIM, dtype=jnp.float32) * math.log(10000.0) / _DIM
    )
    base = t / denominator
    col = jnp.arange(_DIM)
    return jnp.where((col % 2) == 0, jnp.sin(base), jnp.cos(base))


def _proj_body(base_ref, w_ref, b_ref, out_ref):
    out_ref[...] = (
        lax.dot_general(
            base_ref[...],
            w_ref[...],
            dimension_numbers=(((1,), (1,)), ((), ())),
            preferred_element_type=jnp.float32,
        )
        + b_ref[...]
    )


_project_table = pl.pallas_call(
    _proj_body,
    out_shape=jax.ShapeDtypeStruct((_T_MAX, _DIM), jnp.float32),
)

_NC = 2
_NS = 16
_NW = _NC * _NS
_CHUNK = 128
_NBUF = 2


@functools.lru_cache(maxsize=None)
def _make_gather(n_rows):
    assert n_rows % (_NW * _CHUNK) == 0
    per_w = n_rows // _NW
    n_chunk = per_w // _CHUNK
    assert n_chunk % _NBUF == 0
    mesh = plsc.VectorSubcoreMesh(
        core_axis_name="c", subcore_axis_name="s", num_cores=_NC, num_subcores=_NS
    )

    @functools.partial(
        pl.kernel,
        out_type=jax.ShapeDtypeStruct((n_rows, _DIM), jnp.float32),
        mesh=mesh,
        scratch_types=[
            pltpu.VMEM((per_w,), jnp.int32),
            pltpu.VMEM((_NBUF, _CHUNK, _DIM), jnp.float32),
        ]
        + [pltpu.SemaphoreType.DMA] * (2 * _NBUF),
    )
    def gather(proj_hbm, idx_hbm, out_hbm, idx_v, rows_v, *sems):
        gsem = sems[:_NBUF]
        osem = sems[_NBUF:]
        wid = lax.axis_index("s") * _NC + lax.axis_index("c")
        row0 = wid * per_w
        pltpu.sync_copy(idx_hbm.at[pl.ds(row0, per_w)], idx_v)

        def start_gather(g, p):
            pltpu.async_copy(
                proj_hbm.at[idx_v.at[pl.ds(g * _CHUNK, _CHUNK)]],
                rows_v.at[p],
                gsem[p],
            )

        def wait_gather(p):
            pltpu.make_async_copy(
                proj_hbm.at[pl.ds(0, _CHUNK)], rows_v.at[p], gsem[p]
            ).wait()

        def start_write(g, p):
            pltpu.async_copy(
                rows_v.at[p],
                out_hbm.at[pl.ds(row0 + g * _CHUNK, _CHUNK)],
                osem[p],
            )

        def wait_write(p):
            pltpu.make_async_copy(
                rows_v.at[p], out_hbm.at[pl.ds(0, _CHUNK)], osem[p]
            ).wait()

        for p in range(_NBUF):
            start_gather(p, p)

        def body(i, carry):
            for p in range(_NBUF):
                g = i * _NBUF + p
                wait_gather(p)
                start_write(g, p)
                wait_write(p)

                @pl.when(g + _NBUF < n_chunk)
                def _():
                    start_gather(g + _NBUF, p)

            return carry

        lax.fori_loop(0, n_chunk // _NBUF, body, 0)

    return gather


def kernel(delta_t, W, b):
    B, L = delta_t.shape
    base = _sin_table()
    proj = _project_table(base, W, b.reshape(1, _DIM))
    idx = delta_t.T.reshape(-1).astype(jnp.int32)
    out = _make_gather(idx.shape[0])(proj, idx)
    return out.reshape(L, B, _DIM).transpose(1, 0, 2)

# --- scband reference (transcript-rebuilt; emitter-appended) ---
"""Pipeline reference for scband-relative-temporal-encoding-32349693674124 (READ-ONLY COPY).

The authoritative reference and input builder live on the scoring server;
editing this copy changes nothing except your own understanding.
"""

import jax, jax.numpy as jnp
import numpy as np
import math

DIM = 256
T_MAX = 240

def _build_base(dim=DIM, t_max=T_MAX):
    t = jnp.arange(t_max, dtype=jnp.float32)[:, None]
    denominator = jnp.exp(jnp.arange(dim, dtype=jnp.float32) * math.log(10000.0) / dim)
    base = t / denominator
    col = jnp.arange(dim)
    base = jnp.where((col % 2) == 0, jnp.sin(base), jnp.cos(base))
    return base

def setup_inputs(seed: int = 0) -> dict:
    key = jax.random.key(seed)
    k1, k2, k3 = jax.random.split(key, 3)
    delta_t = jax.random.randint(k1, (4096, 50), 0, T_MAX, dtype=jnp.int64 if jax.config.jax_enable_x64 else jnp.int32)
    bound = 1.0 / math.sqrt(DIM)
    W = jax.random.uniform(k2, (DIM, DIM), dtype=jnp.float32, minval=-bound, maxval=bound)
    b = jax.random.uniform(k3, (DIM,), dtype=jnp.float32, minval=-bound, maxval=bound)
    return {"delta_t": delta_t, "W": W, "b": b}

def reference(delta_t, W, b):
    base = _build_base()
    gathered = jnp.take(base, delta_t, axis=0)  # [B, L, dim]
    out = jnp.einsum('bld,od->blo', gathered, W) + b
    return out

if __name__ == "__main__":
    import jax
    _d = setup_inputs()
    print(jax.jit(kernel)(*tuple(_d.values())))

</pallas_src>

<mosaic_0001>
#map = affine_map<(d0, d1) -> (0, 0)>
#map1 = affine_map<(d0, d1) -> (0)>
module attributes {stable_mosaic.version = 14 : i64} {
  func.func @gather(%arg0: i32, %arg1: i32, %arg2: memref<240x256xf32, #tpu.memory_space<hbm>>, %arg3: memref<204800xi32, #tpu.memory_space<hbm>>, %arg4: memref<204800x256xf32, #tpu.memory_space<hbm>>, %arg5: memref<6400xi32, #tpu.memory_space<vmem>>, %arg6: memref<2x128x256xf32, #tpu.memory_space<vmem>>, %arg7: memref<!tpu.dma_semaphore, #tpu.memory_space<semaphore_mem>>, %arg8: memref<!tpu.dma_semaphore, #tpu.memory_space<semaphore_mem>>, %arg9: memref<!tpu.dma_semaphore, #tpu.memory_space<semaphore_mem>>, %arg10: memref<!tpu.dma_semaphore, #tpu.memory_space<semaphore_mem>>) attributes {dimension_semantics = [#tpu.dimension_semantics<core_parallel>, #tpu.dimension_semantics<subcore_parallel>], iteration_bounds = array<i64: 2, 16>, scalar_prefetch = 0 : i64, scratch_operands = 6 : i64, tpu.core_type = #tpu.core_type<sc_vector_subcore>, window_params = [{transform_indices = #map}, {transform_indices = #map1}, {transform_indices = #map}]} {
    %mul3A = arith.constant 2 : i32
    %mul3A_0 = arith.muli %arg1, %mul3A : i32
    %add3A = arith.addi %mul3A_0, %arg0 : i32
    %mul3A_1 = arith.constant 6400 : i32
    %mul3A_2 = arith.muli %add3A, %mul3A_1 : i32
    "tpu.region"() ({
      %run_scoped3A = tpu.sem_alloc : memref<!tpu.dma_semaphore, #tpu.memory_space<semaphore_mem>>
      %dma_start3A_27 = tpu.memref_slice %arg3[%mul3A_2] : memref<204800xi32, #tpu.memory_space<hbm>> -> memref<6400xi32, #tpu.memory_space<hbm>>
      %dma_start3A_28 = tpu.memref_slice %arg3[%mul3A_2] : memref<204800xi32, #tpu.memory_space<hbm>> -> memref<6400xi32, #tpu.memory_space<hbm>>
      tpu.enqueue_dma source(%dma_start3A_28 : memref<6400xi32, #tpu.memory_space<hbm>>) target(%arg5 : memref<6400xi32, #tpu.memory_space<vmem>>) target_semaphore(%run_scoped3A : memref<!tpu.dma_semaphore, #tpu.memory_space<semaphore_mem>>)
      %dma_wait3A = tpu.memref_slice %arg3[%mul3A_2] : memref<204800xi32, #tpu.memory_space<hbm>> -> memref<6400xi32, #tpu.memory_space<hbm>>
      %dma_wait3A_29 = tpu.memref_slice %arg3[%mul3A_2] : memref<204800xi32, #tpu.memory_space<hbm>> -> memref<6400xi32, #tpu.memory_space<hbm>>
      tpu.wait_dma2 semaphore(%run_scoped3A : memref<!tpu.dma_semaphore, #tpu.memory_space<semaphore_mem>>) src(%dma_wait3A_29 : memref<6400xi32, #tpu.memory_space<hbm>>) dst(%arg5 : memref<6400xi32, #tpu.memory_space<vmem>>)
      tpu.yield
    }) : () -> ()
    %dma_start3A = arith.constant 0 : i32
    %dma_start3A_3 = arith.constant 0 : i32
    %dma_start3A_4 = arith.constant 0 : i32
    %dma_start3A_5 = tpu.memref_slice %arg6[%dma_start3A, %dma_start3A_3, %dma_start3A_4] : memref<2x128x256xf32, #tpu.memory_space<vmem>> -> memref<1x128x256xf32, #tpu.memory_space<vmem>>
    %dma_start3A_6 = tpu.memref_squeeze %dma_start3A_5 : memref<1x128x256xf32, #tpu.memory_space<vmem>> -> memref<128x256xf32, #tpu.memory_space<vmem>>
    %dma_start3A_7 = arith.constant 0 : i32
    %dma_start3A_8 = tpu.memref_slice %arg5[%dma_start3A_7] : memref<6400xi32, #tpu.memory_space<vmem>> -> memref<128xi32, #tpu.memory_space<vmem>>
    %dma_start3A_9 = arith.constant 0 : i32
    %dma_start3A_10 = arith.constant 0 : i32
    %dma_start3A_11 = tpu.memref_slice %arg2[%dma_start3A_9, %dma_start3A_10] : memref<240x256xf32, #tpu.memory_space<hbm>> -> memref<240x256xf32, #tpu.memory_space<hbm>>
    tpu.enqueue_indirect_dma source(%dma_start3A_11 : memref<240x256xf32, #tpu.memory_space<hbm>>) target(%dma_start3A_6 : memref<128x256xf32, #tpu.memory_space<vmem>>) offsets(%dma_start3A_8 : memref<128xi32, #tpu.memory_space<vmem>>) semaphore(%arg7 : memref<!tpu.dma_semaphore, #tpu.memory_space<semaphore_mem>>)
    %dma_start3A_12 = arith.constant 1 : i32
    %dma_start3A_13 = arith.constant 0 : i32
    %dma_start3A_14 = arith.constant 0 : i32
    %dma_start3A_15 = tpu.memref_slice %arg6[%dma_start3A_12, %dma_start3A_13, %dma_start3A_14] : memref<2x128x256xf32, #tpu.memory_space<vmem>> -> memref<1x128x256xf32, #tpu.memory_space<vmem>>
    %dma_start3A_16 = tpu.memref_squeeze %dma_start3A_15 : memref<1x128x256xf32, #tpu.memory_space<vmem>> -> memref<128x256xf32, #tpu.memory_space<vmem>>
    %dma_start3A_17 = arith.constant 128 : i32
    %dma_start3A_18 = tpu.memref_slice %arg5[%dma_start3A_17] : memref<6400xi32, #tpu.memory_space<vmem>> -> memref<128xi32, #tpu.memory_space<vmem>>
    %dma_start3A_19 = arith.constant 0 : i32
    %dma_start3A_20 = arith.constant 0 : i32
    %dma_start3A_21 = tpu.memref_slice %arg2[%dma_start3A_19, %dma_start3A_20] : memref<240x256xf32, #tpu.memory_space<hbm>> -> memref<240x256xf32, #tpu.memory_space<hbm>>
    tpu.enqueue_indirect_dma source(%dma_start3A_21 : memref<240x256xf32, #tpu.memory_space<hbm>>) target(%dma_start3A_16 : memref<128x256xf32, #tpu.memory_space<vmem>>) offsets(%dma_start3A_18 : memref<128xi32, #tpu.memory_space<vmem>>) semaphore(%arg8 : memref<!tpu.dma_semaphore, #tpu.memory_space<semaphore_mem>>)
    %scan3A = arith.constant 0 : i32
    %scan3A_22 = arith.constant 0 : i32
    %scan3A_23 = arith.constant 25 : i32
    %scan3A_24 = arith.addi %scan3A_22, %scan3A_23 : i32
    %scan3A_25 = arith.constant 1 : i32
    scf.for %scan3A_27 = %scan3A_22 to %scan3A_24 step %scan3A_25  : i32 {
      %mul3A_28 = arith.constant 2 : i32
      %mul3A_29 = arith.muli %scan3A_27, %mul3A_28 : i32
      %add3A_30 = arith.constant 0 : i32
      %add3A_31 = arith.addi %mul3A_29, %add3A_30 : i32
      %dma_wait3A = arith.constant 0 : i32
      %dma_wait3A_32 = arith.constant 0 : i32
      %dma_wait3A_33 = arith.constant 0 : i32
      %dma_wait3A_34 = tpu.memref_slice %arg6[%dma_wait3A, %dma_wait3A_32, %dma_wait3A_33] : memref<2x128x256xf32, #tpu.memory_space<vmem>> -> memref<1x128x256xf32, #tpu.memory_space<vmem>>
      %dma_wait3A_35 = tpu.memref_squeeze %dma_wait3A_34 : memref<1x128x256xf32, #tpu.memory_space<vmem>> -> memref<128x256xf32, #tpu.memory_space<vmem>>
      %dma_wait3A_36 = arith.constant 0 : i32
      %dma_wait3A_37 = arith.constant 0 : i32
      %dma_wait3A_38 = tpu.memref_slice %arg2[%dma_wait3A_36, %dma_wait3A_37] : memref<240x256xf32, #tpu.memory_space<hbm>> -> memref<128x256xf32, #tpu.memory_space<hbm>>
      %dma_wait3A_39 = arith.constant 0 : i32
      %dma_wait3A_40 = arith.constant 0 : i32
      %dma_wait3A_41 = tpu.memref_slice %arg6[%dma_wait3A, %dma_wait3A_39, %dma_wait3A_40] : memref<2x128x256xf32, #tpu.memory_space<vmem>> -> memref<1x128x256xf32, #tpu.memory_space<vmem>>
      %dma_wait3A_42 = tpu.memref_squeeze %dma_wait3A_41 : memref<1x128x256xf32, #tpu.memory_space<vmem>> -> memref<128x256xf32, #tpu.memory_space<vmem>>
      %dma_wait3A_43 = arith.constant 0 : i32
      %dma_wait3A_44 = arith.constant 0 : i32
      %dma_wait3A_45 = tpu.memref_slice %arg2[%dma_wait3A_43, %dma_wait3A_44] : memref<240x256xf32, #tpu.memory_space<hbm>> -> memref<128x256xf32, #tpu.memory_space<hbm>>
      tpu.wait_dma2 semaphore(%arg7 : memref<!tpu.dma_semaphore, #tpu.memory_space<semaphore_mem>>) src(%dma_wait3A_45 : memref<128x256xf32, #tpu.memory_space<hbm>>) dst(%dma_wait3A_42 : memref<128x256xf32, #tpu.memory_space<vmem>>)
      %mul3A_46 = arith.constant 128 : i32
      %mul3A_47 = arith.muli %add3A_31, %mul3A_46 : i32
      %add3A_48 = arith.addi %mul3A_2, %mul3A_47 : i32
      %dma_start3A_49 = arith.constant 0 : i32
      %dma_start3A_50 = arith.constant 0 : i32
      %dma_start3A_51 = arith.constant 0 : i32
      %dma_start3A_52 = tpu.memref_slice %arg6[%dma_start3A_49, %dma_start3A_50, %dma_start3A_51] : memref<2x128x256xf32, #tpu.memory_space<vmem>> -> memref<1x128x256xf32, #tpu.memory_space<vmem>>
      %dma_start3A_53 = tpu.memref_squeeze %dma_start3A_52 : memref<1x128x256xf32, #tpu.memory_space<vmem>> -> memref<128x256xf32, #tpu.memory_space<vmem>>
      %dma_start3A_54 = arith.constant 0 : i32
      %dma_start3A_55 = tpu.memref_slice %arg4[%add3A_48, %dma_start3A_54] : memref<204800x256xf32, #tpu.memory_space<hbm>> -> memref<128x256xf32, #tpu.memory_space<hbm>>
      %dma_start3A_56 = arith.constant 0 : i32
      %dma_start3A_57 = tpu.memref_slice %arg4[%add3A_48, %dma_start3A_56] : memref<204800x256xf32, #tpu.memory_space<hbm>> -> memref<128x256xf32, #tpu.memory_space<hbm>>
      %dma_start3A_58 = arith.constant 0 : i32
      %dma_start3A_59 = arith.constant 0 : i32
      %dma_start3A_60 = tpu.memref_slice %arg6[%dma_start3A_49, %dma_start3A_58, %dma_start3A_59] : memref<2x128x256xf32, #tpu.memory_space<vmem>> -> memref<1x128x256xf32, #tpu.memory_space<vmem>>
      %dma_start3A_61 = tpu.memref_squeeze %dma_start3A_60 : memref<1x128x256xf32, #tpu.memory_space<vmem>> -> memref<128x256xf32, #tpu.memory_space<vmem>>
      tpu.enqueue_dma source(%dma_start3A_61 : memref<128x256xf32, #tpu.memory_space<vmem>>) target(%dma_start3A_57 : memref<128x256xf32, #tpu.memory_space<hbm>>) target_semaphore(%arg9 : memref<!tpu.dma_semaphore, #tpu.memory_space<semaphore_mem>>)
      %dma_wait3A_62 = arith.constant 0 : i32
      %dma_wait3A_63 = arith.constant 0 : i32
      %dma_wait3A_64 = arith.constant 0 : i32
      %dma_wait3A_65 = tpu.memref_slice %arg6[%dma_wait3A_62, %dma_wait3A_63, %dma_wait3A_64] : memref<2x128x256xf32, #tpu.memory_space<vmem>> -> memref<1x128x256xf32, #tpu.memory_space<vmem>>
      %dma_wait3A_66 = tpu.memref_squeeze %dma_wait3A_65 : memref<1x128x256xf32, #tpu.memory_space<vmem>> -> memref<128x256xf32, #tpu.memory_space<vmem>>
      %dma_wait3A_67 = arith.constant 0 : i32
      %dma_wait3A_68 = arith.constant 0 : i32
      %dma_wait3A_69 = tpu.memref_slice %arg4[%dma_wait3A_67, %dma_wait3A_68] : memref<204800x256xf32, #tpu.memory_space<hbm>> -> memref<128x256xf32, #tpu.memory_space<hbm>>
      %dma_wait3A_70 = arith.constant 0 : i32
      %dma_wait3A_71 = arith.constant 0 : i32
      %dma_wait3A_72 = tpu.memref_slice %arg4[%dma_wait3A_70, %dma_wait3A_71] : memref<204800x256xf32, #tpu.memory_space<hbm>> -> memref<128x256xf32, #tpu.memory_space<hbm>>
      %dma_wait3A_73 = arith.constant 0 : i32
      %dma_wait3A_74 = arith.constant 0 : i32
      %dma_wait3A_75 = tpu.memref_slice %arg6[%dma_wait3A_62, %dma_wait3A_73, %dma_wait3A_74] : memref<2x128x256xf32, #tpu.memory_space<vmem>> -> memref<1x128x256xf32, #tpu.memory_space<vmem>>
      %dma_wait3A_76 = tpu.memref_squeeze %dma_wait3A_75 : memref<1x128x256xf32, #tpu.memory_space<vmem>> -> memref<128x256xf32, #tpu.memory_space<vmem>>
      tpu.wait_dma2 semaphore(%arg9 : memref<!tpu.dma_semaphore, #tpu.memory_space<semaphore_mem>>) src(%dma_wait3A_76 : memref<128x256xf32, #tpu.memory_space<vmem>>) dst(%dma_wait3A_72 : memref<128x256xf32, #tpu.memory_space<hbm>>)
      %add3A_77 = arith.constant 2 : i32
      %add3A_78 = arith.addi %add3A_31, %add3A_77 : i32
      %lt3A = arith.constant 50 : i32
      %lt3A_79 = arith.cmpi slt, %add3A_78, %lt3A : i32
      %convert_element_type3A = arith.extui %lt3A_79 : i1 to i32
      %cond3A = arith.constant 0 : i32
      %cond3A_80 = arith.cmpi ne, %convert_element_type3A, %cond3A : i32
      scf.if %cond3A_80 {
        %add3A_138 = arith.constant 2 : i32
        %add3A_139 = arith.addi %add3A_31, %add3A_138 : i32
        %mul3A_140 = arith.constant 128 : i32
        %mul3A_141 = arith.muli %add3A_139, %mul3A_140 : i32
        %dma_start3A_142 = arith.constant 0 : i32
        %dma_start3A_143 = arith.constant 0 : i32
        %dma_start3A_144 = arith.constant 0 : i32
        %dma_start3A_145 = tpu.memref_slice %arg6[%dma_start3A_142, %dma_start3A_143, %dma_start3A_144] : memref<2x128x256xf32, #tpu.memory_space<vmem>> -> memref<1x128x256xf32, #tpu.memory_space<vmem>>
        %dma_start3A_146 = tpu.memref_squeeze %dma_start3A_145 : memref<1x128x256xf32, #tpu.memory_space<vmem>> -> memref<128x256xf32, #tpu.memory_space<vmem>>
        %dma_start3A_147 = tpu.memref_slice %arg5[%mul3A_141] : memref<6400xi32, #tpu.memory_space<vmem>> -> memref<128xi32, #tpu.memory_space<vmem>>
        %dma_start3A_148 = arith.constant 0 : i32
        %dma_start3A_149 = arith.constant 0 : i32
        %dma_start3A_150 = tpu.memref_slice %arg2[%dma_start3A_148, %dma_start3A_149] : memref<240x256xf32, #tpu.memory_space<hbm>> -> memref<240x256xf32, #tpu.memory_space<hbm>>
        tpu.enqueue_indirect_dma source(%dma_start3A_150 : memref<240x256xf32, #tpu.memory_space<hbm>>) target(%dma_start3A_146 : memref<128x256xf32, #tpu.memory_space<vmem>>) offsets(%dma_start3A_147 : memref<128xi32, #tpu.memory_space<vmem>>) semaphore(%arg7 : memref<!tpu.dma_semaphore, #tpu.memory_space<semaphore_mem>>)
      } else {
      }
      %mul3A_81 = arith.constant 2 : i32
      %mul3A_82 = arith.muli %scan3A_27, %mul3A_81 : i32
      %add3A_83 = arith.constant 1 : i32
      %add3A_84 = arith.addi %mul3A_82, %add3A_83 : i32
      %dma_wait3A_85 = arith.constant 1 : i32
      %dma_wait3A_86 = arith.constant 0 : i32
      %dma_wait3A_87 = arith.constant 0 : i32
      %dma_wait3A_88 = tpu.memref_slice %arg6[%dma_wait3A_85, %dma_wait3A_86, %dma_wait3A_87] : memref<2x128x256xf32, #tpu.memory_space<vmem>> -> memref<1x128x256xf32, #tpu.memory_space<vmem>>
      %dma_wait3A_89 = tpu.memref_squeeze %dma_wait3A_88 : memref<1x128x256xf32, #tpu.memory_space<vmem>> -> memref<128x256xf32, #tpu.memory_space<vmem>>
      %dma_wait3A_90 = arith.constant 0 : i32
      %dma_wait3A_91 = arith.constant 0 : i32
      %dma_wait3A_92 = tpu.memref_slice %arg2[%dma_wait3A_90, %dma_wait3A_91] : memref<240x256xf32, #tpu.memory_space<hbm>> -> memref<128x256xf32, #tpu.memory_space<hbm>>
      %dma_wait3A_93 = arith.constant 0 : i32
      %dma_wait3A_94 = arith.constant 0 : i32
      %dma_wait3A_95 = tpu.memref_slice %arg6[%dma_wait3A_85, %dma_wait3A_93, %dma_wait3A_94] : memref<2x128x256xf32, #tpu.memory_space<vmem>> -> memref<1x128x256xf32, #tpu.memory_space<vmem>>
      %dma_wait3A_96 = tpu.memref_squeeze %dma_wait3A_95 : memref<1x128x256xf32, #tpu.memory_space<vmem>> -> memref<128x256xf32, #tpu.memory_space<vmem>>
      %dma_wait3A_97 = arith.constant 0 : i32
      %dma_wait3A_98 = arith.constant 0 : i32
      %dma_wait3A_99 = tpu.memref_slice %arg2[%dma_wait3A_97, %dma_wait3A_98] : memref<240x256xf32, #tpu.memory_space<hbm>> -> memref<128x256xf32, #tpu.memory_space<hbm>>
      tpu.wait_dma2 semaphore(%arg8 : memref<!tpu.dma_semaphore, #tpu.memory_space<semaphore_mem>>) src(%dma_wait3A_99 : memref<128x256xf32, #tpu.memory_space<hbm>>) dst(%dma_wait3A_96 : memref<128x256xf32, #tpu.memory_space<vmem>>)
      %mul3A_100 = arith.constant 128 : i32
      %mul3A_101 = arith.muli %add3A_84, %mul3A_100 : i32
      %add3A_102 = arith.addi %mul3A_2, %mul3A_101 : i32
      %dma_start3A_103 = arith.constant 1 : i32
      %dma_start3A_104 = arith.constant 0 : i32
      %dma_start3A_105 = arith.constant 0 : i32
      %dma_start3A_106 = tpu.memref_slice %arg6[%dma_start3A_103, %dma_start3A_104, %dma_start3A_105] : memref<2x128x256xf32, #tpu.memory_space<vmem>> -> memref<1x128x256xf32, #tpu.memory_space<vmem>>
      %dma_start3A_107 = tpu.memref_squeeze %dma_start3A_106 : memref<1x128x256xf32, #tpu.memory_space<vmem>> -> memref<128x256xf32, #tpu.memory_space<vmem>>
      %dma_start3A_108 = arith.constant 0 : i32
      %dma_start3A_109 = tpu.memref_slice %arg4[%add3A_102, %dma_start3A_108] : memref<204800x256xf32, #tpu.memory_space<hbm>> -> memref<128x256xf32, #tpu.memory_space<hbm>>
      %dma_start3A_110 = arith.constant 0 : i32
      %dma_start3A_111 = tpu.memref_slice %arg4[%add3A_102, %dma_start3A_110] : memref<204800x256xf32, #tpu.memory_space<hbm>> -> memref<128x256xf32, #tpu.memory_space<hbm>>
      %dma_start3A_112 = arith.constant 0 : i32
      %dma_start3A_113 = arith.constant 0 : i32
      %dma_start3A_114 = tpu.memref_slice %arg6[%dma_start3A_103, %dma_start3A_112, %dma_start3A_113] : memref<2x128x256xf32, #tpu.memory_space<vmem>> -> memref<1x128x256xf32, #tpu.memory_space<vmem>>
      %dma_start3A_115 = tpu.memref_squeeze %dma_start3A_114 : memref<1x128x256xf32, #tpu.memory_space<vmem>> -> memref<128x256xf32, #tpu.memory_space<vmem>>
      tpu.enqueue_dma source(%dma_start3A_115 : memref<128x256xf32, #tpu.memory_space<vmem>>) target(%dma_start3A_111 : memref<128x256xf32, #tpu.memory_space<hbm>>) target_semaphore(%arg10 : memref<!tpu.dma_semaphore, #tpu.memory_space<semaphore_mem>>)
      %dma_wait3A_116 = arith.constant 1 : i32
      %dma_wait3A_117 = arith.constant 0 : i32
      %dma_wait3A_118 = arith.constant 0 : i32
      %dma_wait3A_119 = tpu.memref_slice %arg6[%dma_wait3A_116, %dma_wait3A_117, %dma_wait3A_118] : memref<2x128x256xf32, #tpu.memory_space<vmem>> -> memref<1x128x256xf32, #tpu.memory_space<vmem>>
      %dma_wait3A_120 = tpu.memref_squeeze %dma_wait3A_119 : memref<1x128x256xf32, #tpu.memory_space<vmem>> -> memref<128x256xf32, #tpu.memory_space<vmem>>
      %dma_wait3A_121 = arith.constant 0 : i32
      %dma_wait3A_122 = arith.constant 0 : i32
      %dma_wait3A_123 = tpu.memref_slice %arg4[%dma_wait3A_121, %dma_wait3A_122] : memref<204800x256xf32, #tpu.memory_space<hbm>> -> memref<128x256xf32, #tpu.memory_space<hbm>>
      %dma_wait3A_124 = arith.constant 0 : i32
      %dma_wait3A_125 = arith.constant 0 : i32
      %dma_wait3A_126 = tpu.memref_slice %arg4[%dma_wait3A_124, %dma_wait3A_125] : memref<204800x256xf32, #tpu.memory_space<hbm>> -> memref<128x256xf32, #tpu.memory_space<hbm>>
      %dma_wait3A_127 = arith.constant 0 : i32
      %dma_wait3A_128 = arith.constant 0 : i32
      %dma_wait3A_129 = tpu.memref_slice %arg6[%dma_wait3A_116, %dma_wait3A_127, %dma_wait3A_128] : memref<2x128x256xf32, #tpu.memory_space<vmem>> -> memref<1x128x256xf32, #tpu.memory_space<vmem>>
      %dma_wait3A_130 = tpu.memref_squeeze %dma_wait3A_129 : memref<1x128x256xf32, #tpu.memory_space<vmem>> -> memref<128x256xf32, #tpu.memory_space<vmem>>
      tpu.wait_dma2 semaphore(%arg10 : memref<!tpu.dma_semaphore, #tpu.memory_space<semaphore_mem>>) src(%dma_wait3A_130 : memref<128x256xf32, #tpu.memory_space<vmem>>) dst(%dma_wait3A_126 : memref<128x256xf32, #tpu.memory_space<hbm>>)
      %add3A_131 = arith.constant 2 : i32
      %add3A_132 = arith.addi %add3A_84, %add3A_131 : i32
      %lt3A_133 = arith.constant 50 : i32
      %lt3A_134 = arith.cmpi slt, %add3A_132, %lt3A_133 : i32
      %convert_element_type3A_135 = arith.extui %lt3A_134 : i1 to i32
      %cond3A_136 = arith.constant 0 : i32
      %cond3A_137 = arith.cmpi ne, %convert_element_type3A_135, %cond3A_136 : i32
      scf.if %cond3A_137 {
        %add3A_138 = arith.constant 2 : i32
        %add3A_139 = arith.addi %add3A_84, %add3A_138 : i32
        %mul3A_140 = arith.constant 128 : i32
        %mul3A_141 = arith.muli %add3A_139, %mul3A_140 : i32
        %dma_start3A_142 = arith.constant 1 : i32
        %dma_start3A_143 = arith.constant 0 : i32
        %dma_start3A_144 = arith.constant 0 : i32
        %dma_start3A_145 = tpu.memref_slice %arg6[%dma_start3A_142, %dma_start3A_143, %dma_start3A_144] : memref<2x128x256xf32, #tpu.memory_space<vmem>> -> memref<1x128x256xf32, #tpu.memory_space<vmem>>
        %dma_start3A_146 = tpu.memref_squeeze %dma_start3A_145 : memref<1x128x256xf32, #tpu.memory_space<vmem>> -> memref<128x256xf32, #tpu.memory_space<vmem>>
        %dma_start3A_147 = tpu.memref_slice %arg5[%mul3A_141] : memref<6400xi32, #tpu.memory_space<vmem>> -> memref<128xi32, #tpu.memory_space<vmem>>
        %dma_start3A_148 = arith.constant 0 : i32
        %dma_start3A_149 = arith.constant 0 : i32
        %dma_start3A_150 = tpu.memref_slice %arg2[%dma_start3A_148, %dma_start3A_149] : memref<240x256xf32, #tpu.memory_space<hbm>> -> memref<240x256xf32, #tpu.memory_space<hbm>>
        tpu.enqueue_indirect_dma source(%dma_start3A_150 : memref<240x256xf32, #tpu.memory_space<hbm>>) target(%dma_start3A_146 : memref<128x256xf32, #tpu.memory_space<vmem>>) offsets(%dma_start3A_147 : memref<128xi32, #tpu.memory_space<vmem>>) semaphore(%arg8 : memref<!tpu.dma_semaphore, #tpu.memory_space<semaphore_mem>>)
      } else {
      }
    }
    %scan3A_26 = arith.constant 25 : i32
    return
  }
}

module attributes {stable_mosaic.version = 14 : i64} {
  func.func @_proj_body(%arg0: memref<240x256xf32, #tpu.memory_space<vmem>>, %arg1: memref<256x256xf32, #tpu.memory_space<vmem>>, %arg2: memref<1x256xf32, #tpu.memory_space<vmem>>, %arg3: memref<240x256xf32, #tpu.memory_space<vmem>>) attributes {dimension_semantics = [], scalar_prefetch = 0 : i64, scratch_operands = 0 : i64, tpu.core_type = #tpu.core_type<tc>} {
    %get3A = arith.constant 0 : index
    %get3A_0 = arith.constant 0 : index
    %get3A_1 = vector.load %arg0[%get3A, %get3A_0] : memref<240x256xf32, #tpu.memory_space<vmem>>, vector<240x256xf32>
    %get3A_2 = arith.constant 0 : index
    %get3A_3 = arith.constant 0 : index
    %get3A_4 = vector.load %arg1[%get3A_2, %get3A_3] : memref<256x256xf32, #tpu.memory_space<vmem>>, vector<256x256xf32>
    %dot_general3A = arith.constant dense<0.000000e+00> : vector<240x256xf32>
    %dot_general3A_5 = tpu.matmul %get3A_1, %get3A_4, %dot_general3A {dimension_numbers = #tpu.dot_dimension_numbers<[1], [1], [0], [0], [0, 0, 1, 0], [], []>, transpose_lhs_hint = false} : vector<240x256xf32>, vector<256x256xf32>, vector<240x256xf32> -> vector<240x256xf32>
    %get3A_6 = arith.constant 0 : index
    %get3A_7 = arith.constant 0 : index
    %get3A_8 = vector.load %arg2[%get3A_6, %get3A_7] : memref<1x256xf32, #tpu.memory_space<vmem>>, vector<1x256xf32>
    %add3A = vector.broadcast %get3A_8 : vector<1x256xf32> to vector<240x256xf32>
    %add3A_9 = arith.addf %dot_general3A_5, %add3A : vector<240x256xf32>
    %swap3A = arith.constant 0 : index
    %swap3A_10 = arith.constant 0 : index
    %swap3A_11 = vector.load %arg3[%swap3A, %swap3A_10] : memref<240x256xf32, #tpu.memory_space<vmem>>, vector<240x256xf32>
    tpu.vector_store %arg3[%swap3A, %swap3A_10], %add3A_9 {strides = array<i32>} : memref<240x256xf32, #tpu.memory_space<vmem>>, vector<240x256xf32>,
    return
  }
}

</mosaic_0001>

<sc_bundles>
// kernel: kernel.4.cloned.1.call-start
scs
__scs_entry_jumppad:
0x0: {  	(pc) =	sbr.rel $0x88, $3  }
0x1: {  	(tag) =	ssettag $0x0;
	lr =	simm.s32 $0x1  }
0x2: {  	[smem:$0x3F9E] =	sst lr;
	_ =	strace $0xD0000000  }
0x3: {  	_ = 	snop  }
0x4: {  	_ = 	snop  }
0x5: {  	_ = 	snop  }
0x6: {  	_ = 	snop  }
0x7: {  	_ = 	snop  }
__scs_overlays_trampoline_lowered:
0x8: {  	[smem:$0x3FAD] =	sst s0  }
0x9: {  	[smem:$0x3FAE] =	sst s1  }
0xa: {  	[smem:$0x3FAF] =	sst s2  }
0xb: {  	[smem:$0x3FB0] =	sst s3  }
0xc: {  	[smem:$0x3FB1] =	sst s4  }
0xd: {  	[smem:$0x3FB2] =	sst s5  }
0xe: {  	[smem:$0x3FB3] =	sst s6  }
0xf: {  	[smem:$0x3FB4] =	sst s7  }
0x10: {  	[smem:$0x3FB5] =	sst s8  }
0x11: {  	[smem:$0x3FB6] =	sst s9;
	s0 =	simm.s32 @!p0 $0x0  }
0x12: {  	s1 =	sld [smem:$0x3F9C];
	s0 =	simm.s32 @p0 $0x1  }
0x13: {  	[smem:$0x3FB7] =	sst s0;
	s0 =	simm.s32 @!p1 $0x0  }
0x14: {  	s2 =	sld [smem:$0x3F9B];
	s0 =	simm.s32 @p1 $0x1  }
0x15: {  	[smem:$0x3FB8] =	sst s0;
	s0 =	simm.s32 @!p2 $0x0  }
0x16: {  	s3 =	sld [smem:$0x3FDB];
	s0 =	simm.s32 @p2 $0x1  }
0x17: {  	s4 =	simm.s32 $0x1BF5;
	[smem:$0x3FBA] =	sst s0  }
0x18: {  	s0 =	sld [smem:$0x3F9D];
	_ =	swait.ge [sflag:s4], $0x0  }
0x19: {  	s7 =	sld [smem:$0x3F9E]  }
0x1a: {  	s8 =	sadd.s32 $0xFFFFE003, lr  }
0x1b: {  	s9 =	sadd.s32 $0xFFFFFEF7, lr;
	s5 =	simm.s32 $0xFFFFFFFF;
	p2 =	slt.u32 s8, $0xFFFFF086  }
0x1c: {  	p1 =	slt.u32 s9, $0xF7A;
	s5 =	simm.s32 @!p2 $0x0  }
0x1d: {  	s5 =	simm.s32 @p1 $0x1;
	p0 =	seq.s32 s7, s2  }
0x1e: {  	s7 =	smul.u32 @!p0 $0xF7A, s2;
	p2 =	seq.s32 @!p0 s5, $0x0  }
0x1f: {  	s9 =	smul.u32 $0xF7A, s1;
	s8 =	simm.s32 @!p0 $0x1BF5;
	p2 =	por !p2, p0  }
0x20: {  	[sflag:s8] =	ssyncset.s32 @!p0 $0xFFFFF086;
	s6 =	sadd.s32 @!p0 s3, s7;
	s7 =	simm.s32 @!p0 $0x108  }
0x21: {  	s3 =	sadd.s32 s3, s9;
	s6 =	sadd.s32 @!p0 $0x88, s6;
	s7 =	simm.s32 @p2 $0x1082  }
0x22: {  	[simem:s7], [sflag:s8] =	dma.local @!p0 [hbm:s6], $0xF7A  }
0x23: {  	s9 =	sor.u32 $0xD0000000, s2;
	s6 =	simm.s32 $0x108;
	_ =	swait.ge @!p0 [sflag:s8], $0x0  }
0x24: {  	s3 =	sadd.s32 $0x88, s3;
	s6 =	simm.s32 @!p1 $0x1082;
	[sflag:s4] =	ssyncset.s32 $0xFFFFF086  }
0x25: {  	[simem:s6], [sflag:s4] =	dma.local [hbm:s3], $0xF7A  }
0x26: {  	[smem:$0x3F9E] =	sst s1;
	(tag) =	ssettag s2;
	_ =	strace s9  }
0x27: {  	s1 =	sld [smem:$0x3FAE]  }
0x28: {  	s2 =	sld [smem:$0x3FAF]  }
0x29: {  	s4 =	sld [smem:$0x3FB1]  }
0x2a: {  	p0 =	seq.s32 s5, $0x0;
	s5 =	sld [smem:$0x3FB2]  }
0x2b: {  	s6 =	sld [smem:$0x3FB3]  }
0x2c: {  	s7 =	sld [smem:$0x3FB4]  }
0x2d: {  	s3 =	simm.s32 $0x108;
	s8 =	sld [smem:$0x3FB5]  }
0x2e: {  	s3 =	simm.s32 @!p0 $0x1082;
	s9 =	sld [smem:$0x3FB6]  }
0x2f: {  	lr =	sadd.s32 s0, s3;
	s0 =	sld [smem:$0x3FAD]  }
0x30: {  	s3 =	sld [smem:$0x3FB0]  }
0x31: {  	[smem:$0x3FB9] =	sst s10  }
0x32: {  	s10 =	sld [smem:$0x3FB7];
	_ =	sdelay $0x3  }
0x33: {  	p0 =	seq.s32 s10, $0x1;
	s10 =	sld [smem:$0x3FB9];
	_ =	sdelay $0x3  }
0x34: {  	[smem:$0x3FB9] =	sst s10  }
0x35: {  	s10 =	sld [smem:$0x3FB8];
	_ =	sdelay $0x3  }
0x36: {  	p1 =	seq.s32 s10, $0x1;
	s10 =	sld [smem:$0x3FB9];
	_ =	sdelay $0x3  }
0x37: {  	[smem:$0x3FB9] =	sst s10  }
0x38: {  	s10 =	sld [smem:$0x3FBA]  }
0x39: {  	_ = 	snop;
	(pc) =	sbr.ind lr, $3  }
0x3a: {  	_ = 	snop  }
0x3b: {  	_ = 	snop  }
0x3c: {  	p2 =	seq.s32 s10, $0x1;
	s10 =	sld [smem:$0x3FB9]  }
0x3d: {  	_ =	shalt  }
0x3e: {  	_ =	shalt  }
0x3f: {  	_ =	shalt  }
0x40: {  	_ =	shalt  }
0x41: {  	_ =	shalt  }
0x42: {  	_ =	shalt  }
0x43: {  	_ =	shalt  }
0x44: {  	_ =	shalt  }
0x45: {  	_ =	shalt  }
0x46: {  	_ =	shalt  }
0x47: {  	_ =	shalt  }
0x48: {  	_ =	shalt  }
0x49: {  	_ =	shalt  }
0x4a: {  	_ =	shalt  }
0x4b: {  	_ =	shalt  }
0x4c: {  	_ =	shalt  }
0x4d: {  	_ =	shalt  }
0x4e: {  	_ =	shalt  }
0x4f: {  	_ =	shalt  }
0x50: {  	_ =	shalt  }
0x51: {  	_ =	shalt  }
0x52: {  	_ =	shalt  }
0x53: {  	_ =	shalt  }
0x54: {  	_ =	shalt  }
0x55: {  	_ =	shalt  }
0x56: {  	_ =	shalt  }
0x57: {  	_ =	shalt  }
0x58: {  	_ =	shalt  }
0x59: {  	_ =	shalt  }
0x5a: {  	_ =	shalt  }
0x5b: {  	_ =	shalt  }
0x5c: {  	_ =	shalt  }
0x5d: {  	_ =	shalt  }
0x5e: {  	_ =	shalt  }
0x5f: {  	_ =	shalt  }
0x60: {  	_ =	shalt  }
0x61: {  	_ =	shalt  }
0x62: {  	_ =	shalt  }
0x63: {  	_ =	shalt  }
0x64: {  	_ =	shalt  }
0x65: {  	_ =	shalt  }
0x66: {  	_ =	shalt  }
0x67: {  	_ =	shalt  }
0x68: {  	_ =	shalt  }
0x69: {  	_ =	shalt  }
0x6a: {  	_ =	shalt  }
0x6b: {  	_ =	shalt  }
0x6c: {  	_ =	shalt  }
0x6d: {  	_ =	shalt  }
0x6e: {  	_ =	shalt  }
0x6f: {  	_ =	shalt  }
0x70: {  	_ =	shalt  }
0x71: {  	_ =	shalt  }
0x72: {  	_ =	shalt  }
0x73: {  	_ =	shalt  }
0x74: {  	_ =	shalt  }
0x75: {  	_ =	shalt  }
0x76: {  	_ =	shalt  }
0x77: {  	_ =	shalt  }
0x78: {  	_ =	shalt  }
0x79: {  	_ =	shalt  }
0x7a: {  	_ =	shalt  }
0x7b: {  	_ =	shalt  }
0x7c: {  	_ =	shalt  }
0x7d: {  	_ =	shalt  }
0x7e: {  	_ =	shalt  }
0x7f: {  	_ =	shalt  }
0x80: {  	_ =	shalt  }
0x81: {  	_ =	shalt  }
0x82: {  	_ =	shalt  }
0x83: {  	_ =	shalt  }
0x84: {  	_ =	shalt  }
0x85: {  	_ =	shalt  }
0x86: {  	_ =	shalt  }
0x87: {  	_ =	shalt  }
.Lfunc_end0:
.L_simem_size_0:
called_computation_lowered:
.L_overlay_start_0:
0x88: {  	s2 =	sld [smem:$0x3FD9]  }
0x89: {  	s3 =	sld [smem:$0x3FFE];
	_ =	sdelay $0x1  }
0x8a: {  	s1 =	srdreg.scid  }
0x8b: {  	s0 =	sand.u32 $0x1, s1  }
0x8c: {  	s17 =	sshll.u32 s0, $0xA;
	s2 =	sadd.s32 s3, s2  }
0x8d: {  	s2 =	sadd.s32 s2, s17  }
0x8e: {  	[smem:$0x3FC5] =	sst s2  }
0x8f: {  	_ = 	snop  }
0x90: {  	s2 =	sld [smem:$0x3FD0];
	(tm) =	ssettm $0x1  }
0x91: {  	s18 =	sld [smem:$0x3FFB];
	_ =	sdelay $0x3  }
0x92: {  	_ =	strace s18  }
0x93: {  	s3 =	sld [smem:$0x3FFC];
	_ =	sdelay $0x3  }
0x94: {  	_ =	strace s3  }
0x95: {  	s3 =	sld [smem:$0x3FFD];
	_ =	sdelay $0x3  }
0x96: {  	_ =	strace s3  }
0x97: {  	_ =	strace $0x8FFFFFFF  }
0x98: {  	s19 =	sld [smem:$0x3FDB];
	_ =	sdelay $0x1  }
0x99: {  	s4 =	simm.s32 $_scs_section_size  }
0x9a: {  	s5 =	simm.s32 $_size__tile_overlayer_lowered;
	s6 =	simm.s32 $_tile_overlayer_lowered  }
0x9b: {  	s22 =	simm.s32 $0x1BFF;
	s21 =	sshll.u32 s6, $0x1;
	s3 =	sadd.s32 s4, s19  }
0x9c: {  	s7 =	simm.s32 $0x0;
	s20 =	sshll.u32 s5, $0x1;
	s5 =	sadd.s32 s21, s3  }
0x9d: {  	[timem:s7], [sflag:s22] =	dma.local [hbm:s5], s20  }
0x9e: {  	_ =	swait.ge [sflag:s22], s20  }
0x9f: {  	s4 =	ssub.s32 $0x0, s20;
	[sflag:s22] =	ssyncset.done $0x0  }
0xa0: {  	[sflag:s22] =	ssyncadd.s32 s4;
	_ =	sdelay $0x1  }
0xa1: {  	s23 =	simm.s32 $0x1B8B  }
0xa2: {  	_ =	swait.ge [sflag:s23], $0x1  }
0xa3: {  	[sflag:s23] =	ssyncset.done $0x0  }
0xa4: {  	s25 =	simm.s32 $0x1B8E;
	s24 =	sld [smem:$0x3FFE];
	[sflag:s23] =	ssyncadd.s32 $0xFFFFFFFF  }
0xa5: {  	s26 =	simm.s32 $execute0_lowered;
	[smem:$0x3FD2] =	sst s25  }
0xa6: {  	s5 =	sshll.u32 s26, $0x1;
	_ =	strace $0x80000046;
	[dreg:$0x1] =	wrdreg $0xFFFFFFFF  }
0xa7: {  	s28 =	simm.s32 $_size_execute0_lowered;
	s3 =	sadd.s32 s3, s5;
	[dreg:$0x0] =	wrdreg $0x0  }
0xa8: {  	s5 =	sshll.u32 s28, $0x1;
	[dreg:$0x2] =	wrdreg s3  }
0xa9: {  	[dreg:$0x3] =	wrdreg s5  }
0xaa: {  	[dreg:$0x4] =	wrdreg $0xC0  }
0xab: {  	_ =	task [dreg:s7], $0x5FFFF  }
0xac: {  	[dreg:$0x1] =	wrdreg $0xFFFFFFFF  }
0xad: {  	[dreg:$0x0] =	wrdreg $0x60  }
0xae: {  	[dreg:$0x2] =	wrdreg s24  }
0xaf: {  	[dreg:$0x3] =	wrdreg s2  }
0xb0: {  	[dreg:$0x4] =	wrdreg $0x9  }
0xb1: {  	_ =	task.clear_ibuf [dreg:s7], $0x5FFFF;
	_ =	strace $0x90000046  }
0xb2: {  	s29 =	simm.s32 $0x9;
	_ =	strace $0x80000048  }
0xb3: {  	_ =	swait.ge [sflag:s29], $0x1  }
0xb4: {  	[sflag:s29] =	ssyncadd.s32 $0xFFFFFFFF  }
0xb5: {  	_ =	strace $0x90000048  }
0xb6: {  	_ =	sfence  }
0xb7: {  	s30 =	sld [smem:$0x0];
	_ =	sdelay $0x2  }
0xb8: {  	s31 =	sshll.u32 s1, $0xD;
	s1 =	sshrl.u32 s1, $0x2  }
0xb9: {  	s3 =	sand.u32 $0x4000, s31;
	s1 =	sadd.s32 s1, s30  }
0xba: {  	s0 =	sor.u32 s3, s0;
	s1 =	sshll.u32 s1, $0x11  }
0xbb: {  	s0 =	sor.u32 s1, s0  }
0xbc: {  	s0 =	sadd.s32 $0x8F2B, s0  }
0xbd: {  	[sflag:s0] =	ssyncadd.remote.s32 $0x1  }
0xbe: {  	_ =	sfence.sel $0xFFFF  }
0xbf: {  	[dreg:$0x0] =	wrdreg $0xFFFFFFFF;
	(pc) =	sbr.abs _section_cstart, $3  }
0xc0: {  	[dreg:$0x1] =	wrdreg $0xFFFFFFFF  }
0xc1: {  	_ =	task.clear_ibuf [dreg:s7], $0x2FFFF;
	_ =	strace $0x9FFFFFFF  }
0xc2: {  	(tm) =	ssettm $0x7FFFFFFF  }
0xc3: {  	_ =	shalt  }
tec
execute0_lowered:
.L_overlay_start_1:
0x0: {  	(tag) =	ssettag $0x1  }
0x1: {  	s0 =	srdreg.scid;
	s4 =	rddreg [dreg:$0x0]  }
0x2: {  	s3 =	stileid.u32;
	s5 =	rddreg [dreg:$0x1];
	s2 =	simm.s32 $0x0  }
0x3: {  	s22 =	simm.s32 $0x8100;
	s23 =	simm.s32 $0x8900;
	s24 =	simm.s32 $0x9100  }
0x4: {  	s28 =	simm.s32 $0xA900;
	s29 =	simm.s32 $0xB100;
	s30 =	simm.s32 $0xB900  }
0x5: {  	s31 =	simm.s32 $0xC100;
	s11 =	simm.s32 $0xF900;
	s12 =	simm.s32 $0x10100  }
0x6: {  	s13 =	simm.s32 $0x10900;
	s14 =	simm.s32 $0x11100;
	s15 =	simm.s32 $0x1  }
0x7: {  	s16 =	simm.s32 $0x3;
	s17 =	simm.s32 $0x2;
	s18 =	simm.s32 $0x4  }
0x8: {  	s20 =	simm.s32 $0x0;
	s0 =	sand.u32 $0x1, s0;
	s6 =	smul.u32 $0x64000, s3  }
0x9: {  	s1 =	sshll.u32 s3, $0x1;
	[smem:$0x7FF] =	sst s2;
	s9 =	smul.u32 $0x320000, s3  }
0xa: {  	s3 =	sadd.s32 $0x6E00, s4;
	s1 =	sor.u32 s0, s1;
	s7 =	smul.u32 $0x32000, s0  }
0xb: {  	_ =	strace $0x80000047;
	s8 =	ssub.s32 $0x2, s0;
	s0 =	smul.u32 $0x190000, s0  }
0xc: {  	s1 =	smul.u32 $0x320, s1;
	s10 =	sshrl.u32 s8, $0x1;
	s6 =	sadd.s32 s6, s5  }
0xd: {  	s25 =	ssub.s32 s8, s10;
	s26 =	sadd.s32 s7, s6;
	s0 =	sadd.s32 s0, s9  }
0xe: {  	s9 =	simm.s32 $0x1900;
	s8 =	simm.s32 $0xE900;
	s10 =	simm.s32 $0xF100  }
.Ltmp0:
0xf: {  	s1 =	sadd.s32 s1, s4;
	s4 =	smax.u32 s25, $0x1;
	(pc) =	sbr.rel .LBB2_1-.Ltmp0, $4  }
0x10: {  	s6 =	sadd.s32 $0x1000, s26;
	s0 =	sshrl.u32 s0, $0x3;
	s25 =	simm.s32 $0x9900  }
0x11: {  	v2 =	vlaneseq.u32;
	s26 =	simm.s32 $0xA100;
	s1 =	sadd.s32 $0xA00, s1;
	[dreg:$0x4] =	wrdreg s4  }
0x12: {  	vm0 =	vmmov $0xffff;
	v1 =	vshrl.u32 v2, $0x3;
	s7 =	sadd.s32 s0, s5;
	s0 =	simm.s32 $0xD100;
	s4 =	simm.s32 $0xD900  }
0x13: {  	v0 =	vand.u32 $0x7, v2;
	v2 =	vor.u32 $0x8, v2;
	v1 =	vmul.u32 $0x8, v1;
	s5 =	simm.s32 $0xE100;
	[dreg:$0x3] =	wrdreg s1;
	s1 =	simm.s32 $0xC900  }
.LBB2_6:
0x14: {  	s20 =	rddreg [dreg:$0x5]  }
0x15: {  	s19 =	rddreg [dreg:$0x4];
	s20 =	sadd.s32 $0x1, s20  }
0x16: {  	p0 =	sne.s32 s20, s19  }
.Ltmp1:
0x17: {  	_ = 	snop;
	(pc) =	sbr.rel @!p0 .LBB2_7-.Ltmp1, $1  }
0x18: {  	_ =	sdelay $0x3  }
.LBB2_1:
0x19: {  	[dreg:$0x5] =	wrdreg s20  }
0x1a: {  	s19 =	rddreg [dreg:$0x3];
	s21 =	simm.s32 $0x5  }
0x1b: {  	[tilespmem:s2], [sflag:$0x5] =	stream.linear.gather [hbm4b:s19+s2], $0x1900, $0x38;
	[tilespmem:$0x11900] =	vst v63  }
0x1c: {  	_ =	swait.ge [sflag:s21], $0x1900  }
0x1d: {  	[sflag:s21] =	ssyncset.done $0x0  }
0x1e: {  	[sflag:s21] =	ssyncadd.s32 $0xFFFFE700  }
0x1f: {  	v3 =	vld [tilespmem:$0x0];
	_ =	sdelay $0x4  }
0x20: {  	v4 =	vshll.u32 v3, $0x1  }
0x21: {  	v3 =	vand.u32 $0x7, v3;
	v4 =	vand.u32 $0xFFFFFFF0, v4  }
0x22: {  	v3 =	vor.u32 v3, v4  }
0x23: {  	v4 =	vperm.xlane v3, v0;
	_ =	sdelay $0x1  }
0x24: {  	v3 =	vperm.xlane v3, v2;
	v4 =	vadd.s32 v1, v4;
	_ =	sdelay $0x1  }
0x25: {  	v3 =	vadd.s32 v1, v3;
	_ =	sdelay $0x2  }
0x26: {  	[tilespmem:s9], [sflag:$0x1] =	stream.indirect_vreg.gather [hbm4b:s3+s2], $0x80, v4, vm0, $0xb8;
	[tilespmem:$0x11900] =	vst v63  }
0x27: {  	s20 =	simm.s32 $0x2100  }
0x28: {  	[tilespmem:s20], [sflag:$0x1] =	stream.indirect_vreg.gather [hbm4b:s3+s2], $0x80, v3, vm0, $0xb8;
	[tilespmem:$0x11900] =	vst v63  }
0x29: {  	v3 =	vld [tilespmem:$0x10];
	_ =	sdelay $0x4  }
0x2a: {  	v49 =	vshll.u32 v3, $0x1  }
0x2b: {  	v3 =	vand.u32 $0x7, v3;
	v4 =	vand.u32 $0xFFFFFFF0, v49  }
0x2c: {  	v3 =	vor.u32 v3, v4  }
0x2d: {  	v4 =	vperm.xlane v3, v0;
	_ =	sdelay $0x1  }
0x2e: {  	v3 =	vperm.xlane v3, v2;
	v4 =	vadd.s32 v1, v4;
	_ =	sdelay $0x1  }
0x2f: {  	v3 =	vadd.s32 v1, v3;
	_ =	sdelay $0x1  }
0x30: {  	s21 =	simm.s32 $0x2900  }
0x31: {  	[tilespmem:s21], [sflag:$0x1] =	stream.indirect_vreg.gather [hbm4b:s3+s2], $0x80, v4, vm0, $0xb8;
	[tilespmem:$0x11900] =	vst v63  }
0x32: {  	s20 =	simm.s32 $0x3100  }
0x33: {  	[tilespmem:s20], [sflag:$0x1] =	stream.indirect_vreg.gather [hbm4b:s3+s2], $0x80, v3, vm0, $0xb8;
	[tilespmem:$0x11900] =	vst v63  }
0x34: {  	v3 =	vld [tilespmem:$0x20];
	_ =	sdelay $0x4  }
0x35: {  	v50 =	vshll.u32 v3, $0x1  }
0x36: {  	v3 =	vand.u32 $0x7, v3;
	v4 =	vand.u32 $0xFFFFFFF0, v50  }
0x37: {  	v3 =	vor.u32 v3, v4  }
0x38: {  	v4 =	vperm.xlane v3, v0;
	_ =	sdelay $0x1  }
0x39: {  	v3 =	vperm.xlane v3, v2;
	v4 =	vadd.s32 v1, v4;
	_ =	sdelay $0x1  }
0x3a: {  	v3 =	vadd.s32 v1, v3;
	_ =	sdelay $0x1  }
0x3b: {  	s21 =	simm.s32 $0x3900  }
0x3c: {  	[tilespmem:s21], [sflag:$0x1] =	stream.indirect_vreg.gather [hbm4b:s3+s2], $0x80, v4, vm0, $0xb8;
	[tilespmem:$0x11900] =	vst v63  }
0x3d: {  	s20 =	simm.s32 $0x4100  }
0x3e: {  	[tilespmem:s20], [sflag:$0x1] =	stream.indirect_vreg.gather [hbm4b:s3+s2], $0x80, v3, vm0, $0xb8;
	[tilespmem:$0x11900] =	vst v63  }
0x3f: {  	v3 =	vld [tilespmem:$0x30];
	_ =	sdelay $0x4  }
0x40: {  	v51 =	vshll.u32 v3, $0x1  }
0x41: {  	v3 =	vand.u32 $0x7, v3;
	v4 =	vand.u32 $0xFFFFFFF0, v51  }
0x42: {  	v3 =	vor.u32 v3, v4  }
0x43: {  	v4 =	vperm.xlane v3, v0;
	_ =	sdelay $0x1  }
0x44: {  	v3 =	vperm.xlane v3, v2;
	v4 =	vadd.s32 v1, v4;
	_ =	sdelay $0x1  }
0x45: {  	v3 =	vadd.s32 v1, v3;
	_ =	sdelay $0x1  }
0x46: {  	s21 =	simm.s32 $0x4900  }
0x47: {  	[tilespmem:s21], [sflag:$0x1] =	stream.indirect_vreg.gather [hbm4b:s3+s2], $0x80, v4, vm0, $0xb8;
	[tilespmem:$0x11900] =	vst v63  }
0x48: {  	s20 =	simm.s32 $0x5100  }
0x49: {  	[tilespmem:s20], [sflag:$0x1] =	stream.indirect_vreg.gather [hbm4b:s3+s2], $0x80, v3, vm0, $0xb8;
	[tilespmem:$0x11900] =	vst v63  }
0x4a: {  	v3 =	vld [tilespmem:$0x40];
	_ =	sdelay $0x4  }
0x4b: {  	v52 =	vshll.u32 v3, $0x1  }
0x4c: {  	v3 =	vand.u32 $0x7, v3;
	v4 =	vand.u32 $0xFFFFFFF0, v52  }
0x4d: {  	v3 =	vor.u32 v3, v4  }
0x4e: {  	v4 =	vperm.xlane v3, v0;
	_ =	sdelay $0x1  }
0x4f: {  	v3 =	vperm.xlane v3, v2;
	v4 =	vadd.s32 v1, v4;
	_ =	sdelay $0x1  }
0x50: {  	v3 =	vadd.s32 v1, v3;
	_ =	sdelay $0x1  }
0x51: {  	s21 =	simm.s32 $0x5900  }
0x52: {  	[tilespmem:s21], [sflag:$0x1] =	stream.indirect_vreg.gather [hbm4b:s3+s2], $0x80, v4, vm0, $0xb8;
	[tilespmem:$0x11900] =	vst v63  }
0x53: {  	s20 =	simm.s32 $0x6100  }
0x54: {  	[tilespmem:s20], [sflag:$0x1] =	stream.indirect_vreg.gather [hbm4b:s3+s2], $0x80, v3, vm0, $0xb8;
	[tilespmem:$0x11900] =	vst v63  }
0x55: {  	v3 =	vld [tilespmem:$0x50];
	_ =	sdelay $0x4  }
0x56: {  	v53 =	vshll.u32 v3, $0x1  }
0x57: {  	v3 =	vand.u32 $0x7, v3;
	v4 =	vand.u32 $0xFFFFFFF0, v53  }
0x58: {  	v3 =	vor.u32 v3, v4  }
0x59: {  	v4 =	vperm.xlane v3, v0;
	_ =	sdelay $0x1  }
0x5a: {  	v3 =	vperm.xlane v3, v2;
	v4 =	vadd.s32 v1, v4;
	_ =	sdelay $0x1  }
0x5b: {  	v3 =	vadd.s32 v1, v3;
	_ =	sdelay $0x1  }
0x5c: {  	s21 =	simm.s32 $0x6900  }
0x5d: {  	[tilespmem:s21], [sflag:$0x1] =	stream.indirect_vreg.gather [hbm4b:s3+s2], $0x80, v4, vm0, $0xb8;
	[tilespmem:$0x11900] =	vst v63  }
0x5e: {  	s20 =	simm.s32 $0x7100  }
0x5f: {  	[tilespmem:s20], [sflag:$0x1] =	stream.indirect_vreg.gather [hbm4b:s3+s2], $0x80, v3, vm0, $0xb8;
	[tilespmem:$0x11900] =	vst v63  }
0x60: {  	v3 =	vld [tilespmem:$0x60];
	_ =	sdelay $0x4  }
0x61: {  	v54 =	vshll.u32 v3, $0x1  }
0x62: {  	v3 =	vand.u32 $0x7, v3;
	v4 =	vand.u32 $0xFFFFFFF0, v54  }
0x63: {  	v3 =	vor.u32 v3, v4  }
0x64: {  	v4 =	vperm.xlane v3, v0;
	_ =	sdelay $0x1  }
0x65: {  	v3 =	vperm.xlane v3, v2;
	v4 =	vadd.s32 v1, v4;
	_ =	sdelay $0x1  }
0x66: {  	v3 =	vadd.s32 v1, v3;
	_ =	sdelay $0x1  }
0x67: {  	s21 =	simm.s32 $0x7900  }
0x68: {  	[tilespmem:s21], [sflag:$0x1] =	stream.indirect_vreg.gather [hbm4b:s3+s2], $0x80, v4, vm0, $0xb8;
	[tilespmem:$0x11900] =	vst v63  }
0x69: {  	_ = 	snop  }
0x6a: {  	[tilespmem:s22], [sflag:$0x1] =	stream.indirect_vreg.gather [hbm4b:s3+s2], $0x80, v3, vm0, $0xb8;
	[tilespmem:$0x11900] =	vst v63  }
0x6b: {  	v3 =	vld [tilespmem:$0x70];
	_ =	sdelay $0x4  }
0x6c: {  	v55 =	vshll.u32 v3, $0x1  }
0x6d: {  	v3 =	vand.u32 $0x7, v3;
	v4 =	vand.u32 $0xFFFFFFF0, v55  }
0x6e: {  	v3 =	vor.u32 v3, v4  }
0x6f: {  	v4 =	vperm.xlane v3, v0;
	_ =	sdelay $0x1  }
0x70: {  	v3 =	vperm.xlane v3, v2;
	v4 =	vadd.s32 v1, v4;
	_ =	sdelay $0x1  }
0x71: {  	v3 =	vadd.s32 v1, v3;
	_ =	sdelay $0x2  }
0x72: {  	[tilespmem:s23], [sflag:$0x1] =	stream.indirect_vreg.gather [hbm4b:s3+s2], $0x80, v4, vm0, $0xb8;
	[tilespmem:$0x11900] =	vst v63  }
0x73: {  	_ = 	snop  }
0x74: {  	[tilespmem:s24], [sflag:$0x1] =	stream.indirect_vreg.gather [hbm4b:s3+s2], $0x80, v3, vm0, $0xb8;
	[tilespmem:$0x11900] =	vst v63  }
0x75: {  	v3 =	vld [tilespmem:$0x80];
	_ =	sdelay $0x4  }
0x76: {  	v56 =	vshll.u32 v3, $0x1  }
0x77: {  	v3 =	vand.u32 $0x7, v3;
	v4 =	vand.u32 $0xFFFFFFF0, v56  }
0x78: {  	v3 =	vor.u32 v3, v4  }
0x79: {  	v4 =	vperm.xlane v3, v0;
	_ =	sdelay $0x1  }
0x7a: {  	v3 =	vperm.xlane v3, v2;
	v4 =	vadd.s32 v1, v4;
	_ =	sdelay $0x1  }
0x7b: {  	v3 =	vadd.s32 v1, v3;
	_ =	sdelay $0x2  }
0x7c: {  	[tilespmem:s25], [sflag:$0x2] =	stream.indirect_vreg.gather [hbm4b:s3+s2], $0x80, v4, vm0, $0xb8;
	[tilespmem:$0x11900] =	vst v63  }
0x7d: {  	_ = 	snop  }
0x7e: {  	[tilespmem:s26], [sflag:$0x2] =	stream.indirect_vreg.gather [hbm4b:s3+s2], $0x80, v3, vm0, $0xb8;
	[tilespmem:$0x11900] =	vst v63  }
0x7f: {  	v3 =	vld [tilespmem:$0x90];
	_ =	sdelay $0x4  }
0x80: {  	v57 =	vshll.u32 v3, $0x1  }
0x81: {  	v3 =	vand.u32 $0x7, v3;
	v4 =	vand.u32 $0xFFFFFFF0, v57  }
0x82: {  	v3 =	vor.u32 v3, v4  }
0x83: {  	v4 =	vperm.xlane v3, v0;
	_ =	sdelay $0x1  }
0x84: {  	v3 =	vperm.xlane v3, v2;
	v4 =	vadd.s32 v1, v4;
	_ =	sdelay $0x1  }
0x85: {  	v3 =	vadd.s32 v1, v3;
	_ =	sdelay $0x2  }
0x86: {  	[tilespmem:s28], [sflag:$0x2] =	stream.indirect_vreg.gather [hbm4b:s3+s2], $0x80, v4, vm0, $0xb8;
	[tilespmem:$0x11900] =	vst v63  }
0x87: {  	_ = 	snop  }
0x88: {  	[tilespmem:s29], [sflag:$0x2] =	stream.indirect_vreg.gather [hbm4b:s3+s2], $0x80, v3, vm0, $0xb8;
	[tilespmem:$0x11900] =	vst v63  }
0x89: {  	v3 =	vld [tilespmem:$0xA0];
	_ =	sdelay $0x4  }
0x8a: {  	v58 =	vshll.u32 v3, $0x1  }
0x8b: {  	v3 =	vand.u32 $0x7, v3;
	v4 =	vand.u32 $0xFFFFFFF0, v58  }
0x8c: {  	v3 =	vor.u32 v3, v4  }
0x8d: {  	v4 =	vperm.xlane v3, v0;
	_ =	sdelay $0x1  }
0x8e: {  	v3 =	vperm.xlane v3, v2;
	v4 =	vadd.s32 v1, v4;
	_ =	sdelay $0x1  }
0x8f: {  	v3 =	vadd.s32 v1, v3;
	_ =	sdelay $0x2  }
0x90: {  	[tilespmem:s30], [sflag:$0x2] =	stream.indirect_vreg.gather [hbm4b:s3+s2], $0x80, v4, vm0, $0xb8;
	[tilespmem:$0x11900] =	vst v63  }
0x91: {  	_ = 	snop  }
0x92: {  	[tilespmem:s31], [sflag:$0x2] =	stream.indirect_vreg.gather [hbm4b:s3+s2], $0x80, v3, vm0, $0xb8;
	[tilespmem:$0x11900] =	vst v63  }
0x93: {  	v3 =	vld [tilespmem:$0xB0];
	_ =	sdelay $0x4  }
0x94: {  	v59 =	vshll.u32 v3, $0x1  }
0x95: {  	v3 =	vand.u32 $0x7, v3;
	v4 =	vand.u32 $0xFFFFFFF0, v59  }
0x96: {  	v3 =	vor.u32 v3, v4  }
0x97: {  	v4 =	vperm.xlane v3, v0;
	_ =	sdelay $0x1  }
0x98: {  	v3 =	vperm.xlane v3, v2;
	v4 =	vadd.s32 v1, v4;
	_ =	sdelay $0x1  }
0x99: {  	v3 =	vadd.s32 v1, v3;
	_ =	sdelay $0x2  }
0x9a: {  	[tilespmem:s1], [sflag:$0x2] =	stream.indirect_vreg.gather [hbm4b:s3+s2], $0x80, v4, vm0, $0xb8;
	[tilespmem:$0x11900] =	vst v63  }
0x9b: {  	_ = 	snop  }
0x9c: {  	[tilespmem:s0], [sflag:$0x2] =	stream.indirect_vreg.gather [hbm4b:s3+s2], $0x80, v3, vm0, $0xb8;
	[tilespmem:$0x11900] =	vst v63  }
0x9d: {  	v3 =	vld [tilespmem:$0xC0];
	_ =	sdelay $0x4  }
0x9e: {  	v60 =	vshll.u32 v3, $0x1  }
0x9f: {  	v3 =	vand.u32 $0x7, v3;
	v4 =	vand.u32 $0xFFFFFFF0, v60  }
0xa0: {  	v3 =	vor.u32 v3, v4  }
0xa1: {  	v4 =	vperm.xlane v3, v0;
	_ =	sdelay $0x1  }
0xa2: {  	v3 =	vperm.xlane v3, v2;
	v4 =	vadd.s32 v1, v4;
	_ =	sdelay $0x1  }
0xa3: {  	v3 =	vadd.s32 v1, v3;
	_ =	sdelay $0x2  }
0xa4: {  	[tilespmem:s4], [sflag:$0x2] =	stream.indirect_vreg.gather [hbm4b:s3+s2], $0x80, v4, vm0, $0xb8;
	[tilespmem:$0x11900] =	vst v63  }
0xa5: {  	_ = 	snop  }
0xa6: {  	[tilespmem:s5], [sflag:$0x2] =	stream.indirect_vreg.gather [hbm4b:s3+s2], $0x80, v3, vm0, $0xb8;
	[tilespmem:$0x11900] =	vst v63  }
0xa7: {  	v3 =	vld [tilespmem:$0xD0];
	_ =	sdelay $0x4  }
0xa8: {  	v61 =	vshll.u32 v3, $0x1  }
0xa9: {  	v3 =	vand.u32 $0x7, v3;
	v4 =	vand.u32 $0xFFFFFFF0, v61  }
0xaa: {  	v3 =	vor.u32 v3, v4  }
0xab: {  	v4 =	vperm.xlane v3, v0;
	_ =	sdelay $0x1  }
0xac: {  	v3 =	vperm.xlane v3, v2;
	v4 =	vadd.s32 v1, v4;
	_ =	sdelay $0x1  }
0xad: {  	v3 =	vadd.s32 v1, v3;
	_ =	sdelay $0x2  }
0xae: {  	[tilespmem:s8], [sflag:$0x2] =	stream.indirect_vreg.gather [hbm4b:s3+s2], $0x80, v4, vm0, $0xb8;
	[tilespmem:$0x11900] =	vst v63  }
0xaf: {  	_ = 	snop  }
0xb0: {  	[tilespmem:s10], [sflag:$0x2] =	stream.indirect_vreg.gather [hbm4b:s3+s2], $0x80, v3, vm0, $0xb8;
	[tilespmem:$0x11900] =	vst v63  }
0xb1: {  	v3 =	vld [tilespmem:$0xE0];
	_ =	sdelay $0x4  }
0xb2: {  	v62 =	vshll.u32 v3, $0x1  }
0xb3: {  	v3 =	vand.u32 $0x7, v3;
	v4 =	vand.u32 $0xFFFFFFF0, v62  }
0xb4: {  	v3 =	vor.u32 v3, v4  }
0xb5: {  	v4 =	vperm.xlane v3, v0;
	_ =	sdelay $0x1  }
0xb6: {  	v3 =	vperm.xlane v3, v2;
	v4 =	vadd.s32 v1, v4;
	_ =	sdelay $0x1  }
0xb7: {  	v3 =	vadd.s32 v1, v3;
	_ =	sdelay $0x2  }
0xb8: {  	[tilespmem:s11], [sflag:$0x2] =	stream.indirect_vreg.gather [hbm4b:s3+s2], $0x80, v4, vm0, $0xb8;
	[tilespmem:$0x11900] =	vst v63  }
0xb9: {  	_ = 	snop  }
0xba: {  	[tilespmem:s12], [sflag:$0x2] =	stream.indirect_vreg.gather [hbm4b:s3+s2], $0x80, v3, vm0, $0xb8;
	[tilespmem:$0x11900] =	vst v63  }
0xbb: {  	v3 =	vld [tilespmem:$0xF0];
	_ =	sdelay $0x4  }
0xbc: {  	v63 =	vshll.u32 v3, $0x1  }
0xbd: {  	v3 =	vand.u32 $0x7, v3;
	v4 =	vand.u32 $0xFFFFFFF0, v63  }
0xbe: {  	v3 =	vor.u32 v3, v4  }
0xbf: {  	v4 =	vperm.xlane v3, v0;
	_ =	sdelay $0x1  }
0xc0: {  	v3 =	vperm.xlane v3, v2;
	v4 =	vadd.s32 v1, v4;
	_ =	sdelay $0x1  }
0xc1: {  	v3 =	vadd.s32 v1, v3;
	_ =	sdelay $0x2  }
0xc2: {  	[tilespmem:s13], [sflag:$0x2] =	stream.indirect_vreg.gather [hbm4b:s3+s2], $0x80, v4, vm0, $0xb8;
	[tilespmem:$0x11900] =	vst v63  }
0xc3: {  	s19 =	simm.s32 $0x1F0;
	s20 =	simm.s32 $0x0  }
0xc4: {  	[tilespmem:s14], [sflag:$0x2] =	stream.indirect_vreg.gather [hbm4b:s3+s2], $0x80, v3, vm0, $0xb8;
	[tilespmem:$0x11900] =	vst v63  }
.LBB2_2:
0xc5: {  	_ =	swait.ge [sflag:s15], $0x8000  }
0xc6: {  	p0 =	seq.s32 s20, $0x30000;
	[sflag:s15] =	ssyncset.done $0x0  }
.Ltmp2:
0xc7: {  	s21 =	sadd.s32 s20, s7;
	[sflag:s15] =	ssyncadd.s32 $0xFFFF8000;
	(pc) =	sbr.rel @p0 .LBB2_4-.Ltmp2, $4  }
0xc8: {  	[hbm4b:s21+s2] =	stream.linear.scatter [tilespmem:s9], [sflag:$0x3], $0x8000, $0x38;
	[tilespmem:$0x11900] =	vst v63  }
0xc9: {  	_ =	swait.ge [sflag:s16], $0x8000  }
0xca: {  	[sflag:s16] =	ssyncset.done $0x0  }
0xcb: {  	[sflag:s16] =	ssyncadd.s32 $0xFFFF8000  }
0xcc: {  	v3 =	vld [tilespmem:s19+$0xFFFFFF10];
	_ =	sdelay $0x4  }
0xcd: {  	v4 =	vshll.u32 v3, $0x1  }
0xce: {  	v3 =	vand.u32 $0x7, v3;
	v4 =	vand.u32 $0xFFFFFFF0, v4  }
0xcf: {  	v3 =	vor.u32 v3, v4  }
0xd0: {  	v4 =	vperm.xlane v3, v0;
	_ =	sdelay $0x1  }
0xd1: {  	v3 =	vperm.xlane v3, v2;
	v4 =	vadd.s32 v1, v4;
	_ =	sdelay $0x1  }
0xd2: {  	v3 =	vadd.s32 v1, v3;
	_ =	sdelay $0x2  }
0xd3: {  	[tilespmem:s9], [sflag:$0x1] =	stream.indirect_vreg.gather [hbm4b:s3+s2], $0x80, v4, vm0, $0xb8;
	[tilespmem:$0x11900] =	vst v63  }
0xd4: {  	s21 =	simm.s32 $0x2100  }
0xd5: {  	[tilespmem:s21], [sflag:$0x1] =	stream.indirect_vreg.gather [hbm4b:s3+s2], $0x80, v3, vm0, $0xb8;
	[tilespmem:$0x11900] =	vst v63  }
0xd6: {  	v3 =	vld [tilespmem:s19+$0xFFFFFF20];
	_ =	sdelay $0x4  }
0xd7: {  	v57 =	vshll.u32 v3, $0x1  }
0xd8: {  	v3 =	vand.u32 $0x7, v3;
	v4 =	vand.u32 $0xFFFFFFF0, v57  }
0xd9: {  	v3 =	vor.u32 v3, v4  }
0xda: {  	v4 =	vperm.xlane v3, v0;
	_ =	sdelay $0x1  }
0xdb: {  	v3 =	vperm.xlane v3, v2;
	v4 =	vadd.s32 v1, v4;
	_ =	sdelay $0x1  }
0xdc: {  	v3 =	vadd.s32 v1, v3;
	_ =	sdelay $0x1  }
0xdd: {  	s21 =	simm.s32 $0x2900  }
0xde: {  	[tilespmem:s21], [sflag:$0x1] =	stream.indirect_vreg.gather [hbm4b:s3+s2], $0x80, v4, vm0, $0xb8;
	[tilespmem:$0x11900] =	vst v63  }
0xdf: {  	s21 =	simm.s32 $0x3100  }
0xe0: {  	[tilespmem:s21], [sflag:$0x1] =	stream.indirect_vreg.gather [hbm4b:s3+s2], $0x80, v3, vm0, $0xb8;
	[tilespmem:$0x11900] =	vst v63  }
0xe1: {  	v3 =	vld [tilespmem:s19+$0xFFFFFF30];
	_ =	sdelay $0x4  }
0xe2: {  	v58 =	vshll.u32 v3, $0x1  }
0xe3: {  	v3 =	vand.u32 $0x7, v3;
	v4 =	vand.u32 $0xFFFFFFF0, v58  }
0xe4: {  	v3 =	vor.u32 v3, v4  }
0xe5: {  	v4 =	vperm.xlane v3, v0;
	_ =	sdelay $0x1  }
0xe6: {  	v3 =	vperm.xlane v3, v2;
	v4 =	vadd.s32 v1, v4;
	_ =	sdelay $0x1  }
0xe7: {  	v3 =	vadd.s32 v1, v3;
	_ =	sdelay $0x1  }
0xe8: {  	s21 =	simm.s32 $0x3900  }
0xe9: {  	[tilespmem:s21], [sflag:$0x1] =	stream.indirect_vreg.gather [hbm4b:s3+s2], $0x80, v4, vm0, $0xb8;
	[tilespmem:$0x11900] =	vst v63  }
0xea: {  	s21 =	simm.s32 $0x4100  }
0xeb: {  	[tilespmem:s21], [sflag:$0x1] =	stream.indirect_vreg.gather [hbm4b:s3+s2], $0x80, v3, vm0, $0xb8;
	[tilespmem:$0x11900] =	vst v63  }
0xec: {  	v3 =	vld [tilespmem:s19+$0xFFFFFF40];
	_ =	sdelay $0x4  }
0xed: {  	v59 =	vshll.u32 v3, $0x1  }
0xee: {  	v3 =	vand.u32 $0x7, v3;
	v4 =	vand.u32 $0xFFFFFFF0, v59  }
0xef: {  	v3 =	vor.u32 v3, v4  }
0xf0: {  	v4 =	vperm.xlane v3, v0;
	_ =	sdelay $0x1  }
0xf1: {  	v3 =	vperm.xlane v3, v2;
	v4 =	vadd.s32 v1, v4;
	_ =	sdelay $0x1  }
0xf2: {  	v3 =	vadd.s32 v1, v3;
	_ =	sdelay $0x1  }
0xf3: {  	s21 =	simm.s32 $0x4900  }
0xf4: {  	[tilespmem:s21], [sflag:$0x1] =	stream.indirect_vreg.gather [hbm4b:s3+s2], $0x80, v4, vm0, $0xb8;
	[tilespmem:$0x11900] =	vst v63  }
0xf5: {  	s21 =	simm.s32 $0x5100  }
0xf6: {  	[tilespmem:s21], [sflag:$0x1] =	stream.indirect_vreg.gather [hbm4b:s3+s2], $0x80, v3, vm0, $0xb8;
	[tilespmem:$0x11900] =	vst v63  }
0xf7: {  	v3 =	vld [tilespmem:s19+$0xFFFFFF50];
	_ =	sdelay $0x4  }
0xf8: {  	v60 =	vshll.u32 v3, $0x1  }
0xf9: {  	v3 =	vand.u32 $0x7, v3;
	v4 =	vand.u32 $0xFFFFFFF0, v60  }
0xfa: {  	v3 =	vor.u32 v3, v4  }
0xfb: {  	v4 =	vperm.xlane v3, v0;
	_ =	sdelay $0x1  }
0xfc: {  	v3 =	vperm.xlane v3, v2;
	v4 =	vadd.s32 v1, v4;
	_ =	sdelay $0x1  }
0xfd: {  	v3 =	vadd.s32 v1, v3;
	_ =	sdelay $0x1  }
0xfe: {  	s21 =	simm.s32 $0x5900  }
0xff: {  	[tilespmem:s21], [sflag:$0x1] =	stream.indirect_vreg.gather [hbm4b:s3+s2], $0x80, v4, vm0, $0xb8;
	[tilespmem:$0x11900] =	vst v63  }
0x100: {  	s21 =	simm.s32 $0x6100  }
0x101: {  	[tilespmem:s21], [sflag:$0x1] =	stream.indirect_vreg.gather [hbm4b:s3+s2], $0x80, v3, vm0, $0xb8;
	[tilespmem:$0x11900] =	vst v63  }
0x102: {  	v3 =	vld [tilespmem:s19+$0xFFFFFF60];
	_ =	sdelay $0x4  }
0x103: {  	v61 =	vshll.u32 v3, $0x1  }
0x104: {  	v3 =	vand.u32 $0x7, v3;
	v4 =	vand.u32 $0xFFFFFFF0, v61  }
0x105: {  	v3 =	vor.u32 v3, v4  }
0x106: {  	v4 =	vperm.xlane v3, v0;
	_ =	sdelay $0x1  }
0x107: {  	v3 =	vperm.xlane v3, v2;
	v4 =	vadd.s32 v1, v4;
	_ =	sdelay $0x1  }
0x108: {  	v3 =	vadd.s32 v1, v3;
	_ =	sdelay $0x1  }
0x109: {  	s21 =	simm.s32 $0x6900  }
0x10a: {  	[tilespmem:s21], [sflag:$0x1] =	stream.indirect_vreg.gather [hbm4b:s3+s2], $0x80, v4, vm0, $0xb8;
	[tilespmem:$0x11900] =	vst v63  }
0x10b: {  	s21 =	simm.s32 $0x7100  }
0x10c: {  	[tilespmem:s21], [sflag:$0x1] =	stream.indirect_vreg.gather [hbm4b:s3+s2], $0x80, v3, vm0, $0xb8;
	[tilespmem:$0x11900] =	vst v63  }
0x10d: {  	v3 =	vld [tilespmem:s19+$0xFFFFFF70];
	_ =	sdelay $0x4  }
0x10e: {  	v62 =	vshll.u32 v3, $0x1  }
0x10f: {  	v3 =	vand.u32 $0x7, v3;
	v4 =	vand.u32 $0xFFFFFFF0, v62  }
0x110: {  	v3 =	vor.u32 v3, v4  }
0x111: {  	v4 =	vperm.xlane v3, v0;
	_ =	sdelay $0x1  }
0x112: {  	v3 =	vperm.xlane v3, v2;
	v4 =	vadd.s32 v1, v4;
	_ =	sdelay $0x1  }
0x113: {  	v3 =	vadd.s32 v1, v3;
	_ =	sdelay $0x1  }
0x114: {  	s21 =	simm.s32 $0x7900  }
0x115: {  	[tilespmem:s21], [sflag:$0x1] =	stream.indirect_vreg.gather [hbm4b:s3+s2], $0x80, v4, vm0, $0xb8;
	[tilespmem:$0x11900] =	vst v63  }
0x116: {  	_ = 	snop  }
0x117: {  	[tilespmem:s22], [sflag:$0x1] =	stream.indirect_vreg.gather [hbm4b:s3+s2], $0x80, v3, vm0, $0xb8;
	[tilespmem:$0x11900] =	vst v63  }
0x118: {  	v3 =	vld [tilespmem:s19+$0xFFFFFF80];
	_ =	sdelay $0x4  }
0x119: {  	v63 =	vshll.u32 v3, $0x1  }
0x11a: {  	v3 =	vand.u32 $0x7, v3;
	v4 =	vand.u32 $0xFFFFFFF0, v63  }
0x11b: {  	v3 =	vor.u32 v3, v4  }
0x11c: {  	v4 =	vperm.xlane v3, v0;
	_ =	sdelay $0x1  }
0x11d: {  	v3 =	vperm.xlane v3, v2;
	v4 =	vadd.s32 v1, v4;
	_ =	sdelay $0x1  }
0x11e: {  	v3 =	vadd.s32 v1, v3;
	_ =	sdelay $0x2  }
0x11f: {  	[tilespmem:s23], [sflag:$0x1] =	stream.indirect_vreg.gather [hbm4b:s3+s2], $0x80, v4, vm0, $0xb8;
	[tilespmem:$0x11900] =	vst v63  }
0x120: {  	_ = 	snop  }
0x121: {  	[tilespmem:s24], [sflag:$0x1] =	stream.indirect_vreg.gather [hbm4b:s3+s2], $0x80, v3, vm0, $0xb8;
	[tilespmem:$0x11900] =	vst v63  }
.LBB2_4:
0x122: {  	_ =	swait.ge [sflag:s17], $0x8000  }
0x123: {  	[sflag:s17] =	ssyncset.done $0x0  }
.Ltmp3:
0x124: {  	s21 =	sadd.s32 s20, s6;
	[sflag:s17] =	ssyncadd.s32 $0xFFFF8000;
	(pc) =	sbr.rel @p0 .LBB2_6-.Ltmp3, $4  }
0x125: {  	[hbm4b:s21+s2] =	stream.linear.scatter [tilespmem:s25], [sflag:$0x4], $0x8000, $0x38;
	[tilespmem:$0x11900] =	vst v63  }
0x126: {  	_ =	swait.ge [sflag:s18], $0x8000  }
0x127: {  	[sflag:s18] =	ssyncset.done $0x0  }
0x128: {  	[sflag:s18] =	ssyncadd.s32 $0xFFFF8000  }
0x129: {  	v3 =	vld [tilespmem:s19+$0xFFFFFF90];
	_ =	sdelay $0x4  }
0x12a: {  	v4 =	vshll.u32 v3, $0x1  }
0x12b: {  	v3 =	vand.u32 $0x7, v3;
	v4 =	vand.u32 $0xFFFFFFF0, v4  }
0x12c: {  	v3 =	vor.u32 v3, v4  }
0x12d: {  	v4 =	vperm.xlane v3, v0;
	_ =	sdelay $0x1  }
0x12e: {  	v3 =	vperm.xlane v3, v2;
	v4 =	vadd.s32 v1, v4;
	_ =	sdelay $0x1  }
0x12f: {  	v3 =	vadd.s32 v1, v3;
	_ =	sdelay $0x2  }
0x130: {  	[tilespmem:s25], [sflag:$0x2] =	stream.indirect_vreg.gather [hbm4b:s3+s2], $0x80, v4, vm0, $0xb8;
	[tilespmem:$0x11900] =	vst v63  }
0x131: {  	_ = 	snop  }
0x132: {  	[tilespmem:s26], [sflag:$0x2] =	stream.indirect_vreg.gather [hbm4b:s3+s2], $0x80, v3, vm0, $0xb8;
	[tilespmem:$0x11900] =	vst v63  }
0x133: {  	v3 =	vld [tilespmem:s19+$0xFFFFFFA0];
	_ =	sdelay $0x4  }
0x134: {  	v57 =	vshll.u32 v3, $0x1  }
0x135: {  	v3 =	vand.u32 $0x7, v3;
	v4 =	vand.u32 $0xFFFFFFF0, v57  }
0x136: {  	v3 =	vor.u32 v3, v4  }
0x137: {  	v4 =	vperm.xlane v3, v0;
	_ =	sdelay $0x1  }
0x138: {  	v3 =	vperm.xlane v3, v2;
	v4 =	vadd.s32 v1, v4;
	_ =	sdelay $0x1  }
0x139: {  	v3 =	vadd.s32 v1, v3;
	_ =	sdelay $0x2  }
0x13a: {  	[tilespmem:s28], [sflag:$0x2] =	stream.indirect_vreg.gather [hbm4b:s3+s2], $0x80, v4, vm0, $0xb8;
	[tilespmem:$0x11900] =	vst v63  }
0x13b: {  	_ = 	snop  }
0x13c: {  	[tilespmem:s29], [sflag:$0x2] =	stream.indirect_vreg.gather [hbm4b:s3+s2], $0x80, v3, vm0, $0xb8;
	[tilespmem:$0x11900] =	vst v63  }
0x13d: {  	v3 =	vld [tilespmem:s19+$0xFFFFFFB0];
	_ =	sdelay $0x4  }
0x13e: {  	v58 =	vshll.u32 v3, $0x1  }
0x13f: {  	v3 =	vand.u32 $0x7, v3;
	v4 =	vand.u32 $0xFFFFFFF0, v58  }
0x140: {  	v3 =	vor.u32 v3, v4  }
0x141: {  	v4 =	vperm.xlane v3, v0;
	_ =	sdelay $0x1  }
0x142: {  	v3 =	vperm.xlane v3, v2;
	v4 =	vadd.s32 v1, v4;
	_ =	sdelay $0x1  }
0x143: {  	v3 =	vadd.s32 v1, v3;
	_ =	sdelay $0x2  }
0x144: {  	[tilespmem:s30], [sflag:$0x2] =	stream.indirect_vreg.gather [hbm4b:s3+s2], $0x80, v4, vm0, $0xb8;
	[tilespmem:$0x11900] =	vst v63  }
0x145: {  	_ = 	snop  }
0x146: {  	[tilespmem:s31], [sflag:$0x2] =	stream.indirect_vreg.gather [hbm4b:s3+s2], $0x80, v3, vm0, $0xb8;
	[tilespmem:$0x11900] =	vst v63  }
0x147: {  	v3 =	vld [tilespmem:s19+$0xFFFFFFC0];
	_ =	sdelay $0x4  }
0x148: {  	v59 =	vshll.u32 v3, $0x1  }
0x149: {  	v3 =	vand.u32 $0x7, v3;
	v4 =	vand.u32 $0xFFFFFFF0, v59  }
0x14a: {  	v3 =	vor.u32 v3, v4  }
0x14b: {  	v4 =	vperm.xlane v3, v0;
	_ =	sdelay $0x1  }
0x14c: {  	v3 =	vperm.xlane v3, v2;
	v4 =	vadd.s32 v1, v4;
	_ =	sdelay $0x1  }
0x14d: {  	v3 =	vadd.s32 v1, v3;
	_ =	sdelay $0x2  }
0x14e: {  	[tilespmem:s1], [sflag:$0x2] =	stream.indirect_vreg.gather [hbm4b:s3+s2], $0x80, v4, vm0, $0xb8;
	[tilespmem:$0x11900] =	vst v63  }
0x14f: {  	_ = 	snop  }
0x150: {  	[tilespmem:s0], [sflag:$0x2] =	stream.indirect_vreg.gather [hbm4b:s3+s2], $0x80, v3, vm0, $0xb8;
	[tilespmem:$0x11900] =	vst v63  }
0x151: {  	v3 =	vld [tilespmem:s19+$0xFFFFFFD0];
	_ =	sdelay $0x4  }
0x152: {  	v60 =	vshll.u32 v3, $0x1  }
0x153: {  	v3 =	vand.u32 $0x7, v3;
	v4 =	vand.u32 $0xFFFFFFF0, v60  }
0x154: {  	v3 =	vor.u32 v3, v4  }
0x155: {  	v4 =	vperm.xlane v3, v0;
	_ =	sdelay $0x1  }
0x156: {  	v3 =	vperm.xlane v3, v2;
	v4 =	vadd.s32 v1, v4;
	_ =	sdelay $0x1  }
0x157: {  	v3 =	vadd.s32 v1, v3;
	_ =	sdelay $0x2  }
0x158: {  	[tilespmem:s4], [sflag:$0x2] =	stream.indirect_vreg.gather [hbm4b:s3+s2], $0x80, v4, vm0, $0xb8;
	[tilespmem:$0x11900] =	vst v63  }
0x159: {  	_ = 	snop  }
0x15a: {  	[tilespmem:s5], [sflag:$0x2] =	stream.indirect_vreg.gather [hbm4b:s3+s2], $0x80, v3, vm0, $0xb8;
	[tilespmem:$0x11900] =	vst v63  }
0x15b: {  	v3 =	vld [tilespmem:s19+$0xFFFFFFE0];
	_ =	sdelay $0x4  }
0x15c: {  	v61 =	vshll.u32 v3, $0x1  }
0x15d: {  	v3 =	vand.u32 $0x7, v3;
	v4 =	vand.u32 $0xFFFFFFF0, v61  }
0x15e: {  	v3 =	vor.u32 v3, v4  }
0x15f: {  	v4 =	vperm.xlane v3, v0;
	_ =	sdelay $0x1  }
0x160: {  	v3 =	vperm.xlane v3, v2;
	v4 =	vadd.s32 v1, v4;
	_ =	sdelay $0x1  }
0x161: {  	v3 =	vadd.s32 v1, v3;
	_ =	sdelay $0x2  }
0x162: {  	[tilespmem:s8], [sflag:$0x2] =	stream.indirect_vreg.gather [hbm4b:s3+s2], $0x80, v4, vm0, $0xb8;
	[tilespmem:$0x11900] =	vst v63  }
0x163: {  	_ = 	snop  }
0x164: {  	[tilespmem:s10], [sflag:$0x2] =	stream.indirect_vreg.gather [hbm4b:s3+s2], $0x80, v3, vm0, $0xb8;
	[tilespmem:$0x11900] =	vst v63  }
0x165: {  	v3 =	vld [tilespmem:s19+$0xFFFFFFF0];
	_ =	sdelay $0x4  }
0x166: {  	v62 =	vshll.u32 v3, $0x1  }
0x167: {  	v3 =	vand.u32 $0x7, v3;
	v4 =	vand.u32 $0xFFFFFFF0, v62  }
0x168: {  	v3 =	vor.u32 v3, v4  }
0x169: {  	v4 =	vperm.xlane v3, v0;
	_ =	sdelay $0x1  }
0x16a: {  	v3 =	vperm.xlane v3, v2;
	v4 =	vadd.s32 v1, v4;
	_ =	sdelay $0x1  }
0x16b: {  	v3 =	vadd.s32 v1, v3;
	_ =	sdelay $0x2  }
0x16c: {  	[tilespmem:s11], [sflag:$0x2] =	stream.indirect_vreg.gather [hbm4b:s3+s2], $0x80, v4, vm0, $0xb8;
	[tilespmem:$0x11900] =	vst v63  }
0x16d: {  	_ = 	snop  }
0x16e: {  	[tilespmem:s12], [sflag:$0x2] =	stream.indirect_vreg.gather [hbm4b:s3+s2], $0x80, v3, vm0, $0xb8;
	[tilespmem:$0x11900] =	vst v63  }
0x16f: {  	v3 =	vld [tilespmem:s19+$0x0];
	_ =	sdelay $0x4  }
0x170: {  	v63 =	vshll.u32 v3, $0x1  }
0x171: {  	v3 =	vand.u32 $0x7, v3;
	v4 =	vand.u32 $0xFFFFFFF0, v63  }
0x172: {  	v3 =	vor.u32 v3, v4  }
0x173: {  	v4 =	vperm.xlane v3, v0;
	_ =	sdelay $0x1  }
0x174: {  	v3 =	vperm.xlane v3, v2;
	v4 =	vadd.s32 v1, v4;
	_ =	sdelay $0x1  }
0x175: {  	v3 =	vadd.s32 v1, v3  }
.Ltmp4:
0x176: {  	_ = 	snop;
	(pc) =	sbr.rel .LBB2_2-.Ltmp4, $4  }
0x177: {  	_ = 	snop  }
0x178: {  	[tilespmem:s13], [sflag:$0x2] =	stream.indirect_vreg.gather [hbm4b:s3+s2], $0x80, v4, vm0, $0xb8;
	[tilespmem:$0x11900] =	vst v63  }
0x179: {  	s20 =	sadd.s32 $0x2000, s20;
	s19 =	sadd.s32 $0x100, s19  }
0x17a: {  	[tilespmem:s14], [sflag:$0x2] =	stream.indirect_vreg.gather [hbm4b:s3+s2], $0x80, v3, vm0, $0xb8;
	[tilespmem:$0x11900] =	vst v63  }
.LBB2_7:
0x17b: {  	_ =	sfence.sel $0x180000  }
0x17c: {  	[bflag:$0x0] =	sbarrier.arrive $0xFFFF  }
0x17d: {  	_ =	strace $0x90000047  }
0x17e: {  	s0 =	stileid.u32;
	[bflag:$0x2] =	sbarrier.arrive $0xFFFF  }
0x17f: {  	p0 =	sne.s32 s0, $0x0;
	s0 =	rddreg [dreg:$0x2]  }
0x180: {  	s0 =	sadd.s32 @!p0 $0x100000, s0  }
0x181: {  	[sflag:s0] =	ssyncadd.tile.s32 @!p0 $0x1;
	_ =	shalt  }
.Lfunc_end2:
_tile_overlayer_lowered:
.L_overlay_start_2:
0x182: {  	(tag) =	ssettag $0x2  }
0x183: {  	s0 =	rddreg [dreg:$0x0];
	s2 =	stileid.u32  }
0x184: {  	s1 =	rddreg [dreg:$0x1];
	p0 =	sne.s32 s2, $0x0  }
0x185: {  	s3 =	rddreg [dreg:$0x2];
	[bflag:$0x3] =	sbarrier.arrive $0xFFFF;
	s2 =	simm.s32 @!p0 $0x1C05  }
0x186: {  	[timem:s3], [sflag:s2] =	dma.local @!p0 [hbm:s0], s1  }
0x187: {  	s0 =	simm.s32 @!p0 $0x5  }
0x188: {  	_ =	swait.ge @!p0 [sflag:s0], s1  }
0x189: {  	s1 =	ssub.s32 @!p0 $0x0, s1;
	[sflag:s0] =	ssyncset.done @!p0 $0x0  }
0x18a: {  	[sflag:s0] =	ssyncadd.s32 @!p0 s1  }
0x18b: {  	[bflag:$0x3] =	sbarrier.arrive $0xFFFF  }
0x18c: {  	_ =	shalt  }

</sc_bundles>
